<compile_context>
chip_gen: v7x
topology: tpu7x:2x2x1
jax: 0.10.2.dev20260603
libtpu: 0.0.44.dev20260713+nightly
codegen_flags: <defaults>
</compile_context>

<pallas_src>
import functools

import jax
import jax.numpy as jnp
from jax import lax
from jax.experimental import pallas as pl
from jax.experimental.pallas import tpu as pltpu
from jax.experimental.pallas import tpu_sc as plsc

P = 4
NPROB = 200
NORD = 200
NREL = 3
E = 300
B = 16384
GROUP = 4

NC = 2
NS = 16
L = 16
NW = NC * NS
BPW = B // NW


LW = 128


def _tables_body(prob_ref, rel_ref, ord_ref, w_ref, pidx_ref, ridx_ref,
                 tidx_ref, out_ref, fidx_ref):
    for k in range(NREL):
        acc = jnp.zeros((NPROB, NORD), jnp.float32)
        for p in range(P):
            lhs = prob_ref[p] * rel_ref[k, p : p + 1, :] * w_ref[0:1, p : p + 1]
            acc = acc + lax.dot_general(
                lhs,
                ord_ref[p],
                (((1,), (1,)), ((), ())),
                preferred_element_type=jnp.float32,
            )
        out_ref[pl.ds((2 * k) * NPROB, NPROB), :] = acc[:, 0:LW]
        out_ref[pl.ds((2 * k + 1) * NPROB, NPROB), 0 : NORD - LW] = acc[:, LW:NORD]
    t = tidx_ref[...]
    fidx_ref[...] = (
        ridx_ref[...] * (2 * NPROB * LW)
        + (t >> 7) * (NPROB * LW)
        + pidx_ref[...] * LW
        + (t & (LW - 1))
    )


def _build_tables(prob_tables, rel_tables, ord_tables, final_w,
                  problems, rels, targets):
    return pl.pallas_call(
        _tables_body,
        out_shape=(
            jax.ShapeDtypeStruct((NREL * 2 * NPROB, LW), jnp.float32),
            jax.ShapeDtypeStruct((B // LW, LW), jnp.int32),
        ),
        in_specs=[pl.BlockSpec(memory_space=pltpu.VMEM)] * 7,
        out_specs=(
            pl.BlockSpec(memory_space=pltpu.VMEM),
            pl.BlockSpec(memory_space=pltpu.VMEM),
        ),
    )(prob_tables, rel_tables.transpose(1, 0, 2), ord_tables, final_w,
      problems.reshape(B // LW, LW), rels.reshape(B // LW, LW),
      targets.reshape(B // LW, LW))


@functools.partial(
    pl.kernel,
    out_type=jax.ShapeDtypeStruct((NW * L,), jnp.float32),
    mesh=plsc.VectorSubcoreMesh(
        core_axis_name="c", subcore_axis_name="s", num_cores=NC, num_subcores=NS
    ),
    compiler_params=pltpu.CompilerParams(needs_layout_passes=False),
    scratch_types=[
        pltpu.VMEM((BPW,), jnp.int32),
        pltpu.VMEM((BPW,), jnp.float32),
        pltpu.VMEM((L,), jnp.float32),
        pltpu.SemaphoreType.DMA,
    ],
)
def _sc_gather_loss(table_hbm, fidx_hbm, out_hbm, fidx_v, vals_v, acc_v, sem):
    wid = lax.axis_index("s") * NC + lax.axis_index("c")
    base = wid * BPW
    pltpu.async_copy(fidx_hbm.at[pl.ds(base, BPW)], fidx_v, sem).wait()
    pltpu.async_copy(table_hbm.at[fidx_v], vals_v, sem).wait()

    def _loss(j, acc):
        i0 = (lax.iota(jnp.int32, L) + j * L) * GROUP
        pos = plsc.load_gather(vals_v, [i0])
        n1 = plsc.load_gather(vals_v, [i0 + 1])
        n2 = plsc.load_gather(vals_v, [i0 + 2])
        n3 = plsc.load_gather(vals_v, [i0 + 3])
        return (acc
                + jnp.maximum(n1 - pos + 1.0, 0.0)
                + jnp.maximum(n2 - pos + 1.0, 0.0)
                + jnp.maximum(n3 - pos + 1.0, 0.0))

    acc = lax.fori_loop(0, BPW // GROUP // L, _loss,
                        jnp.zeros((L,), jnp.float32), unroll=False)
    acc_v[...] = acc
    pltpu.sync_copy(acc_v, out_hbm.at[pl.ds(wid * L, L)])


def _reduce_body(part_ref, out_ref):
    out_ref[0, 0] = jnp.sum(part_ref[...]) * (GROUP / B)


def _reduce(partials):
    return pl.pallas_call(
        _reduce_body,
        out_shape=jax.ShapeDtypeStruct((1, 1), jnp.float32),
        in_specs=[pl.BlockSpec(memory_space=pltpu.VMEM)],
        out_specs=pl.BlockSpec(memory_space=pltpu.SMEM),
    )(partials)


def kernel(problems, rels, targets, labels, prob_tables, ord_tables,
           rel_tables, final_w):
    del labels
    sw, fidx = _build_tables(
        prob_tables, rel_tables, ord_tables, final_w,
        problems.astype(jnp.int32), rels.astype(jnp.int32),
        targets.astype(jnp.int32),
    )
    table = sw.reshape(NREL * 2 * NPROB * LW)
    partials = _sc_gather_loss(table, fidx.reshape(B))
    loss = _reduce(partials)
    return loss[0, 0]

# --- scband reference (transcript-rebuilt; emitter-appended) ---
"""Pipeline reference for scband-dist-mult-ensemble-5574867550888 (READ-ONLY COPY).

The authoritative reference and input builder live on the scoring server;
editing this copy changes nothing except your own understanding.
"""

import jax, jax.numpy as jnp
import numpy as np

NUM_PREDICTORS = 4
NUM_PROBLEMS = 200
NUM_ORDERS = 200
NUM_RELS = 3
EMBED = 300
B = 16384
NUM_NEG = 3

def setup_inputs(seed: int = 0):
    key = jax.random.key(seed)
    ks = jax.random.split(key, 8)
    problems = jax.random.randint(ks[0], (B,), 0, NUM_PROBLEMS)
    rels = jax.random.randint(ks[1], (B,), 0, NUM_RELS)
    targets = jax.random.randint(ks[2], (B,), 0, NUM_ORDERS)
    labels = jax.random.randint(ks[3], (B,), 0, 2)
    prob_tables = jax.random.normal(ks[4], (NUM_PREDICTORS, NUM_PROBLEMS, EMBED), dtype=jnp.float32)
    ord_tables = jax.random.normal(ks[5], (NUM_PREDICTORS, NUM_ORDERS, EMBED), dtype=jnp.float32)
    rel_tables = jax.random.normal(ks[6], (NUM_PREDICTORS, NUM_RELS, EMBED), dtype=jnp.float32)
    final_w = jnp.ones((1, NUM_PREDICTORS), dtype=jnp.float32) / NUM_PREDICTORS
    return {"problems": problems, "rels": rels, "targets": targets, "labels": labels,
            "prob_tables": prob_tables, "ord_tables": ord_tables, "rel_tables": rel_tables,
            "final_w": final_w}

def reference(problems, rels, targets, labels, prob_tables, ord_tables, rel_tables, final_w):
    # infer_scores: per-predictor DistMult score <h, r, t>
    p = jnp.take(prob_tables, problems, axis=1)   # [P, B, E] gather
    r = jnp.take(rel_tables, rels, axis=1)        # [P, B, E] gather
    t = jnp.take(ord_tables, targets, axis=1)     # [P, B, E] gather
    scores = jnp.sum(p * r * t, axis=2).T         # [B, P]
    final_scores = jnp.squeeze(scores @ final_w.T, axis=-1)  # [B]
    # compute_margins_and_loss (use_negs=False): groups of (pos, neg, neg, neg)
    s = final_scores.reshape(-1, 1 + NUM_NEG)
    margins = s[:, 1:] - s[:, :1]
    losses = jax.nn.relu(margins + 1.0).sum(axis=1)
    return jnp.mean(losses)

if __name__ == "__main__":
    import jax
    _d = setup_inputs()
    print(jax.jit(kernel)(*tuple(_d.values())))

</pallas_src>

<mosaic_0001>
#map = affine_map<(d0, d1) -> (0)>
module attributes {stable_mosaic.version = 14 : i64} {
  func.func @_sc_gather_loss(%arg0: i32, %arg1: i32, %arg2: memref<153600xf32, #tpu.memory_space<hbm>>, %arg3: memref<16384xi32, #tpu.memory_space<hbm>>, %arg4: memref<512xf32, #tpu.memory_space<hbm>>, %arg5: memref<512xi32, #tpu.memory_space<vmem>>, %arg6: memref<512xf32, #tpu.memory_space<vmem>>, %arg7: memref<16xf32, #tpu.memory_space<vmem>>, %arg8: memref<!tpu.dma_semaphore, #tpu.memory_space<semaphore_mem>>) attributes {dimension_semantics = [#tpu.dimension_semantics<core_parallel>, #tpu.dimension_semantics<subcore_parallel>], iteration_bounds = array<i64: 2, 16>, scalar_prefetch = 0 : i64, scratch_operands = 4 : i64, tpu.core_type = #tpu.core_type<sc_vector_subcore>, window_params = [{transform_indices = #map}, {transform_indices = #map}, {transform_indices = #map}]} {
    %mul3A = arith.constant 2 : i32
    %mul3A_0 = arith.muli %arg1, %mul3A : i32
    %add3A = arith.addi %mul3A_0, %arg0 : i32
    %mul3A_1 = arith.constant 512 : i32
    %mul3A_2 = arith.muli %add3A, %mul3A_1 : i32
    %dma_start3A = tpu.memref_slice %arg3[%mul3A_2] : memref<16384xi32, #tpu.memory_space<hbm>> -> memref<512xi32, #tpu.memory_space<hbm>>
    %dma_start3A_3 = tpu.memref_slice %arg3[%mul3A_2] : memref<16384xi32, #tpu.memory_space<hbm>> -> memref<512xi32, #tpu.memory_space<hbm>>
    tpu.enqueue_dma source(%dma_start3A_3 : memref<512xi32, #tpu.memory_space<hbm>>) target(%arg5 : memref<512xi32, #tpu.memory_space<vmem>>) target_semaphore(%arg8 : memref<!tpu.dma_semaphore, #tpu.memory_space<semaphore_mem>>)
    %dma_wait3A = tpu.memref_slice %arg3[%mul3A_2] : memref<16384xi32, #tpu.memory_space<hbm>> -> memref<512xi32, #tpu.memory_space<hbm>>
    %dma_wait3A_4 = tpu.memref_slice %arg3[%mul3A_2] : memref<16384xi32, #tpu.memory_space<hbm>> -> memref<512xi32, #tpu.memory_space<hbm>>
    tpu.wait_dma2 semaphore(%arg8 : memref<!tpu.dma_semaphore, #tpu.memory_space<semaphore_mem>>) src(%dma_wait3A_4 : memref<512xi32, #tpu.memory_space<hbm>>) dst(%arg5 : memref<512xi32, #tpu.memory_space<vmem>>)
    %dma_start3A_5 = arith.constant 0 : i32
    %dma_start3A_6 = tpu.memref_slice %arg2[%dma_start3A_5] : memref<153600xf32, #tpu.memory_space<hbm>> -> memref<153600xf32, #tpu.memory_space<hbm>>
    tpu.enqueue_indirect_dma source(%dma_start3A_6 : memref<153600xf32, #tpu.memory_space<hbm>>) target(%arg6 : memref<512xf32, #tpu.memory_space<vmem>>) offsets(%arg5 : memref<512xi32, #tpu.memory_space<vmem>>) semaphore(%arg8 : memref<!tpu.dma_semaphore, #tpu.memory_space<semaphore_mem>>)
    %dma_wait3A_7 = arith.constant 0 : i32
    %dma_wait3A_8 = tpu.memref_slice %arg2[%dma_wait3A_7] : memref<153600xf32, #tpu.memory_space<hbm>> -> memref<153600xf32, #tpu.memory_space<hbm>>
    tpu.wait_indirect_dma semaphore(%arg8 : memref<!tpu.dma_semaphore, #tpu.memory_space<semaphore_mem>>) src(%dma_wait3A_8 : memref<153600xf32, #tpu.memory_space<hbm>>) dst(%arg6 : memref<512xf32, #tpu.memory_space<vmem>>)
    %broadcast_in_dim3A = arith.constant 0.000000e+00 : f32
    %broadcast_in_dim3A_9 = vector.broadcast %broadcast_in_dim3A : f32 to vector<16xf32>
    %scan3A = arith.constant 0 : i32
    %scan3A_10 = arith.constant 8 : i32
    %scan3A_11 = arith.addi %scan3A, %scan3A_10 : i32
    %scan3A_12 = arith.constant 1 : i32
    %scan3A_13 = scf.for %scan3A_18 = %scan3A to %scan3A_11 step %scan3A_12 iter_args(%scan3A_19 = %broadcast_in_dim3A_9) -> (vector<16xf32>)  : i32 {
      %iota3A = tpu.iota {dimensions = array<i32: 0>} : vector<16xi32>
      %mul3A_20 = arith.constant 16 : i32
      %mul3A_21 = arith.muli %scan3A_18, %mul3A_20 : i32
      %add3A_22 = vector.broadcast %mul3A_21 : i32 to vector<16xi32>
      %add3A_23 = arith.addi %iota3A, %add3A_22 : vector<16xi32>
      %mul3A_24 = arith.constant 4 : i32
      %mul3A_25 = vector.broadcast %mul3A_24 : i32 to vector<16xi32>
      %mul3A_26 = arith.muli %add3A_23, %mul3A_25 : vector<16xi32>
      %gather3A = tpu.vector_load_idx %arg6[%mul3A_26] : memref<512xf32, #tpu.memory_space<vmem>>[vector<16xi32>], vector<16xf32>,
      %add3A_27 = arith.constant 1 : i32
      %add3A_28 = vector.broadcast %add3A_27 : i32 to vector<16xi32>
      %add3A_29 = arith.addi %mul3A_26, %add3A_28 : vector<16xi32>
      %gather3A_30 = tpu.vector_load_idx %arg6[%add3A_29] : memref<512xf32, #tpu.memory_space<vmem>>[vector<16xi32>], vector<16xf32>,
      %add3A_31 = arith.constant 2 : i32
      %add3A_32 = vector.broadcast %add3A_31 : i32 to vector<16xi32>
      %add3A_33 = arith.addi %mul3A_26, %add3A_32 : vector<16xi32>
      %gather3A_34 = tpu.vector_load_idx %arg6[%add3A_33] : memref<512xf32, #tpu.memory_space<vmem>>[vector<16xi32>], vector<16xf32>,
      %add3A_35 = arith.constant 3 : i32
      %add3A_36 = vector.broadcast %add3A_35 : i32 to vector<16xi32>
      %add3A_37 = arith.addi %mul3A_26, %add3A_36 : vector<16xi32>
      %gather3A_38 = tpu.vector_load_idx %arg6[%add3A_37] : memref<512xf32, #tpu.memory_space<vmem>>[vector<16xi32>], vector<16xf32>,
      %sub3A = arith.subf %gather3A_30, %gather3A : vector<16xf32>
      %add3A_39 = arith.constant 1.000000e+00 : f32
      %add3A_40 = vector.broadcast %add3A_39 : f32 to vector<16xf32>
      %add3A_41 = arith.addf %sub3A, %add3A_40 : vector<16xf32>
      %max3A = arith.constant 0.000000e+00 : f32
      %max3A_42 = vector.broadcast %max3A : f32 to vector<16xf32>
      %max3A_43 = arith.maximumf %add3A_41, %max3A_42 : vector<16xf32>
      %add3A_44 = arith.addf %scan3A_19, %max3A_43 : vector<16xf32>
      %sub3A_45 = arith.subf %gather3A_34, %gather3A : vector<16xf32>
      %add3A_46 = arith.constant 1.000000e+00 : f32
      %add3A_47 = vector.broadcast %add3A_46 : f32 to vector<16xf32>
      %add3A_48 = arith.addf %sub3A_45, %add3A_47 : vector<16xf32>
      %max3A_49 = arith.constant 0.000000e+00 : f32
      %max3A_50 = vector.broadcast %max3A_49 : f32 to vector<16xf32>
      %max3A_51 = arith.maximumf %add3A_48, %max3A_50 : vector<16xf32>
      %add3A_52 = arith.addf %add3A_44, %max3A_51 : vector<16xf32>
      %sub3A_53 = arith.subf %gather3A_38, %gather3A : vector<16xf32>
      %add3A_54 = arith.constant 1.000000e+00 : f32
      %add3A_55 = vector.broadcast %add3A_54 : f32 to vector<16xf32>
      %add3A_56 = arith.addf %sub3A_53, %add3A_55 : vector<16xf32>
      %max3A_57 = arith.constant 0.000000e+00 : f32
      %max3A_58 = vector.broadcast %max3A_57 : f32 to vector<16xf32>
      %max3A_59 = arith.maximumf %add3A_56, %max3A_58 : vector<16xf32>
      %add3A_60 = arith.addf %add3A_52, %max3A_59 : vector<16xf32>
      scf.yield %add3A_60 : vector<16xf32>
    }
    %scan3A_14 = arith.constant 8 : i32
    %swap3A = arith.constant 0 : index
    %swap3A_15 = tpu.vector_load %arg7[%swap3A] {strides = array<i32>} : memref<16xf32, #tpu.memory_space<vmem>>, vector<16xf32>,
    tpu.vector_store %arg7[%swap3A], %scan3A_13 {strides = array<i32>} : memref<16xf32, #tpu.memory_space<vmem>>, vector<16xf32>,
    %mul3A_16 = arith.constant 16 : i32
    %mul3A_17 = arith.muli %add3A, %mul3A_16 : i32
    "tpu.region"() ({
      %run_scoped3A = tpu.sem_alloc : memref<!tpu.dma_semaphore, #tpu.memory_space<semaphore_mem>>
      %dma_start3A_18 = tpu.memref_slice %arg4[%mul3A_17] : memref<512xf32, #tpu.memory_space<hbm>> -> memref<16xf32, #tpu.memory_space<hbm>>
      %dma_start3A_19 = tpu.memref_slice %arg4[%mul3A_17] : memref<512xf32, #tpu.memory_space<hbm>> -> memref<16xf32, #tpu.memory_space<hbm>>
      tpu.enqueue_dma source(%arg7 : memref<16xf32, #tpu.memory_space<vmem>>) target(%dma_start3A_19 : memref<16xf32, #tpu.memory_space<hbm>>) target_semaphore(%run_scoped3A : memref<!tpu.dma_semaphore, #tpu.memory_space<semaphore_mem>>)
      %dma_wait3A_20 = tpu.memref_slice %arg4[%mul3A_17] : memref<512xf32, #tpu.memory_space<hbm>> -> memref<16xf32, #tpu.memory_space<hbm>>
      %dma_wait3A_21 = tpu.memref_slice %arg4[%mul3A_17] : memref<512xf32, #tpu.memory_space<hbm>> -> memref<16xf32, #tpu.memory_space<hbm>>
      tpu.wait_dma2 semaphore(%run_scoped3A : memref<!tpu.dma_semaphore, #tpu.memory_space<semaphore_mem>>) src(%arg7 : memref<16xf32, #tpu.memory_space<vmem>>) dst(%dma_wait3A_21 : memref<16xf32, #tpu.memory_space<hbm>>)
      tpu.yield
    }) : () -> ()
    return
  }
}

module attributes {stable_mosaic.version = 14 : i64} {
  func.func @_reduce_body(%arg0: memref<512xf32, #tpu.memory_space<vmem>>, %arg1: memref<1x1xf32, #tpu.memory_space<smem>>) attributes {dimension_semantics = [], scalar_prefetch = 0 : i64, scratch_operands = 0 : i64, tpu.core_type = #tpu.core_type<tc>} {
    %get3A = arith.constant 0 : index
    %get3A_0 = vector.load %arg0[%get3A] : memref<512xf32, #tpu.memory_space<vmem>>, vector<512xf32>
    %reduce_sum3A = vector.shape_cast %get3A_0 : vector<512xf32> to vector<1x512xf32>
    %reduce_sum3A_1 = arith.constant dense<0.000000e+00> : vector<1xf32>
    %reduce_sum3A_2 = vector.multi_reduction <add>, %reduce_sum3A, %reduce_sum3A_1 [1] : vector<1x512xf32> to vector<1xf32>
    %reduce_sum3A_3 = vector.shape_cast %reduce_sum3A_2 : vector<1xf32> to vector<1x1xf32>
    %reduce_sum3A_4 = vector.extract %reduce_sum3A_3[0, 0] : f32 from vector<1x1xf32>
    %mul3A = arith.constant 2.44140625E-4 : f32
    %mul3A_5 = arith.mulf %reduce_sum3A_4, %mul3A : f32
    %swap3A = arith.constant 0 : index
    %swap3A_6 = arith.constant 0 : index
    %swap3A_7 = memref.load %arg1[%swap3A, %swap3A_6] : memref<1x1xf32, #tpu.memory_space<smem>>
    memref.store %mul3A_5, %arg1[%swap3A, %swap3A_6] : memref<1x1xf32, #tpu.memory_space<smem>>
    return
  }
}

module attributes {stable_mosaic.version = 14 : i64} {
  func.func @_tables_body(%arg0: memref<4x200x300xf32, #tpu.memory_space<vmem>>, %arg1: memref<3x4x300xf32, #tpu.memory_space<vmem>>, %arg2: memref<4x200x300xf32, #tpu.memory_space<vmem>>, %arg3: memref<1x4xf32, #tpu.memory_space<vmem>>, %arg4: memref<128x128xi32, #tpu.memory_space<vmem>>, %arg5: memref<128x128xi32, #tpu.memory_space<vmem>>, %arg6: memref<128x128xi32, #tpu.memory_space<vmem>>, %arg7: memref<1200x128xf32, #tpu.memory_space<vmem>>, %arg8: memref<128x128xi32, #tpu.memory_space<vmem>>) attributes {dimension_semantics = [], scalar_prefetch = 0 : i64, scratch_operands = 0 : i64, tpu.core_type = #tpu.core_type<tc>} {
    %broadcast_in_dim3A = arith.constant 0.000000e+00 : f32
    %broadcast_in_dim3A_0 = vector.broadcast %broadcast_in_dim3A : f32 to vector<200x200xf32>
    %get3A = arith.constant 0 : index
    %get3A_1 = arith.constant 0 : index
    %get3A_2 = arith.constant 0 : index
    %get3A_3 = vector.load %arg0[%get3A, %get3A_1, %get3A_2] : memref<4x200x300xf32, #tpu.memory_space<vmem>>, vector<1x200x300xf32>
    %get3A_4 = vector.shape_cast %get3A_3 : vector<1x200x300xf32> to vector<200x300xf32>
    %get3A_5 = arith.constant 0 : index
    %get3A_6 = arith.constant 0 : index
    %get3A_7 = arith.constant 0 : index
    %get3A_8 = vector.load %arg1[%get3A_5, %get3A_6, %get3A_7] : memref<3x4x300xf32, #tpu.memory_space<vmem>>, vector<1x1x300xf32>
    %get3A_9 = vector.shape_cast %get3A_8 : vector<1x1x300xf32> to vector<1x300xf32>
    %mul3A = vector.broadcast %get3A_9 : vector<1x300xf32> to vector<200x300xf32>
    %mul3A_10 = arith.mulf %get3A_4, %mul3A : vector<200x300xf32>
    %get3A_11 = arith.constant 0 : index
    %get3A_12 = arith.constant 0 : index
    %get3A_13 = vector.load %arg3[%get3A_11, %get3A_12] : memref<1x4xf32, #tpu.memory_space<vmem>>, vector<1x1xf32>
    %mul3A_14 = vector.broadcast %get3A_13 : vector<1x1xf32> to vector<200x300xf32>
    %mul3A_15 = arith.mulf %mul3A_10, %mul3A_14 : vector<200x300xf32>
    %get3A_16 = arith.constant 0 : index
    %get3A_17 = arith.constant 0 : index
    %get3A_18 = arith.constant 0 : index
    %get3A_19 = vector.load %arg2[%get3A_16, %get3A_17, %get3A_18] : memref<4x200x300xf32, #tpu.memory_space<vmem>>, vector<1x200x300xf32>
    %get3A_20 = vector.shape_cast %get3A_19 : vector<1x200x300xf32> to vector<200x300xf32>
    %dot_general3A = arith.constant dense<0.000000e+00> : vector<200x200xf32>
    %dot_general3A_21 = tpu.matmul %mul3A_15, %get3A_20, %dot_general3A {dimension_numbers = #tpu.dot_dimension_numbers<[1], [1], [0], [0], [0, 0, 1, 0], [], []>, transpose_lhs_hint = false} : vector<200x300xf32>, vector<200x300xf32>, vector<200x200xf32> -> vector<200x200xf32>
    %add3A = arith.addf %broadcast_in_dim3A_0, %dot_general3A_21 : vector<200x200xf32>
    %get3A_22 = arith.constant 1 : index
    %get3A_23 = arith.constant 0 : index
    %get3A_24 = arith.constant 0 : index
    %get3A_25 = vector.load %arg0[%get3A_22, %get3A_23, %get3A_24] : memref<4x200x300xf32, #tpu.memory_space<vmem>>, vector<1x200x300xf32>
    %get3A_26 = vector.shape_cast %get3A_25 : vector<1x200x300xf32> to vector<200x300xf32>
    %get3A_27 = arith.constant 0 : index
    %get3A_28 = arith.constant 1 : index
    %get3A_29 = arith.constant 0 : index
    %get3A_30 = vector.load %arg1[%get3A_27, %get3A_28, %get3A_29] : memref<3x4x300xf32, #tpu.memory_space<vmem>>, vector<1x1x300xf32>
    %get3A_31 = vector.shape_cast %get3A_30 : vector<1x1x300xf32> to vector<1x300xf32>
    %mul3A_32 = vector.broadcast %get3A_31 : vector<1x300xf32> to vector<200x300xf32>
    %mul3A_33 = arith.mulf %get3A_26, %mul3A_32 : vector<200x300xf32>
    %get3A_34 = arith.constant 0 : index
    %get3A_35 = arith.constant 1 : index
    %get3A_36 = vector.load %arg3[%get3A_34, %get3A_35] : memref<1x4xf32, #tpu.memory_space<vmem>>, vector<1x1xf32>
    %mul3A_37 = vector.broadcast %get3A_36 : vector<1x1xf32> to vector<200x300xf32>
    %mul3A_38 = arith.mulf %mul3A_33, %mul3A_37 : vector<200x300xf32>
    %get3A_39 = arith.constant 1 : index
    %get3A_40 = arith.constant 0 : index
    %get3A_41 = arith.constant 0 : index
    %get3A_42 = vector.load %arg2[%get3A_39, %get3A_40, %get3A_41] : memref<4x200x300xf32, #tpu.memory_space<vmem>>, vector<1x200x300xf32>
    %get3A_43 = vector.shape_cast %get3A_42 : vector<1x200x300xf32> to vector<200x300xf32>
    %dot_general3A_44 = arith.constant dense<0.000000e+00> : vector<200x200xf32>
    %dot_general3A_45 = tpu.matmul %mul3A_38, %get3A_43, %dot_general3A_44 {dimension_numbers = #tpu.dot_dimension_numbers<[1], [1], [0], [0], [0, 0, 1, 0], [], []>, transpose_lhs_hint = false} : vector<200x300xf32>, vector<200x300xf32>, vector<200x200xf32> -> vector<200x200xf32>
    %add3A_46 = arith.addf %add3A, %dot_general3A_45 : vector<200x200xf32>
    %get3A_47 = arith.constant 2 : index
    %get3A_48 = arith.constant 0 : index
    %get3A_49 = arith.constant 0 : index
    %get3A_50 = vector.load %arg0[%get3A_47, %get3A_48, %get3A_49] : memref<4x200x300xf32, #tpu.memory_space<vmem>>, vector<1x200x300xf32>
    %get3A_51 = vector.shape_cast %get3A_50 : vector<1x200x300xf32> to vector<200x300xf32>
    %get3A_52 = arith.constant 0 : index
    %get3A_53 = arith.constant 2 : index
    %get3A_54 = arith.constant 0 : index
    %get3A_55 = vector.load %arg1[%get3A_52, %get3A_53, %get3A_54] : memref<3x4x300xf32, #tpu.memory_space<vmem>>, vector<1x1x300xf32>
    %get3A_56 = vector.shape_cast %get3A_55 : vector<1x1x300xf32> to vector<1x300xf32>
    %mul3A_57 = vector.broadcast %get3A_56 : vector<1x300xf32> to vector<200x300xf32>
    %mul3A_58 = arith.mulf %get3A_51, %mul3A_57 : vector<200x300xf32>
    %get3A_59 = arith.constant 0 : index
    %get3A_60 = arith.constant 2 : index
    %get3A_61 = vector.load %arg3[%get3A_59, %get3A_60] : memref<1x4xf32, #tpu.memory_space<vmem>>, vector<1x1xf32>
    %mul3A_62 = vector.broadcast %get3A_61 : vector<1x1xf32> to vector<200x300xf32>
    %mul3A_63 = arith.mulf %mul3A_58, %mul3A_62 : vector<200x300xf32>
    %get3A_64 = arith.constant 2 : index
    %get3A_65 = arith.constant 0 : index
    %get3A_66 = arith.constant 0 : index
    %get3A_67 = vector.load %arg2[%get3A_64, %get3A_65, %get3A_66] : memref<4x200x300xf32, #tpu.memory_space<vmem>>, vector<1x200x300xf32>
    %get3A_68 = vector.shape_cast %get3A_67 : vector<1x200x300xf32> to vector<200x300xf32>
    %dot_general3A_69 = arith.constant dense<0.000000e+00> : vector<200x200xf32>
    %dot_general3A_70 = tpu.matmul %mul3A_63, %get3A_68, %dot_general3A_69 {dimension_numbers = #tpu.dot_dimension_numbers<[1], [1], [0], [0], [0, 0, 1, 0], [], []>, transpose_lhs_hint = false} : vector<200x300xf32>, vector<200x300xf32>, vector<200x200xf32> -> vector<200x200xf32>
    %add3A_71 = arith.addf %add3A_46, %dot_general3A_70 : vector<200x200xf32>
    %get3A_72 = arith.constant 3 : index
    %get3A_73 = arith.constant 0 : index
    %get3A_74 = arith.constant 0 : index
    %get3A_75 = vector.load %arg0[%get3A_72, %get3A_73, %get3A_74] : memref<4x200x300xf32, #tpu.memory_space<vmem>>, vector<1x200x300xf32>
    %get3A_76 = vector.shape_cast %get3A_75 : vector<1x200x300xf32> to vector<200x300xf32>
    %get3A_77 = arith.constant 0 : index
    %get3A_78 = arith.constant 3 : index
    %get3A_79 = arith.constant 0 : index
    %get3A_80 = vector.load %arg1[%get3A_77, %get3A_78, %get3A_79] : memref<3x4x300xf32, #tpu.memory_space<vmem>>, vector<1x1x300xf32>
    %get3A_81 = vector.shape_cast %get3A_80 : vector<1x1x300xf32> to vector<1x300xf32>
    %mul3A_82 = vector.broadcast %get3A_81 : vector<1x300xf32> to vector<200x300xf32>
    %mul3A_83 = arith.mulf %get3A_76, %mul3A_82 : vector<200x300xf32>
    %get3A_84 = arith.constant 0 : index
    %get3A_85 = arith.constant 3 : index
    %get3A_86 = vector.load %arg3[%get3A_84, %get3A_85] : memref<1x4xf32, #tpu.memory_space<vmem>>, vector<1x1xf32>
    %mul3A_87 = vector.broadcast %get3A_86 : vector<1x1xf32> to vector<200x300xf32>
    %mul3A_88 = arith.mulf %mul3A_83, %mul3A_87 : vector<200x300xf32>
    %get3A_89 = arith.constant 3 : index
    %get3A_90 = arith.constant 0 : index
    %get3A_91 = arith.constant 0 : index
    %get3A_92 = vector.load %arg2[%get3A_89, %get3A_90, %get3A_91] : memref<4x200x300xf32, #tpu.memory_space<vmem>>, vector<1x200x300xf32>
    %get3A_93 = vector.shape_cast %get3A_92 : vector<1x200x300xf32> to vector<200x300xf32>
    %dot_general3A_94 = arith.constant dense<0.000000e+00> : vector<200x200xf32>
    %dot_general3A_95 = tpu.matmul %mul3A_88, %get3A_93, %dot_general3A_94 {dimension_numbers = #tpu.dot_dimension_numbers<[1], [1], [0], [0], [0, 0, 1, 0], [], []>, transpose_lhs_hint = false} : vector<200x300xf32>, vector<200x300xf32>, vector<200x200xf32> -> vector<200x200xf32>
    %add3A_96 = arith.addf %add3A_71, %dot_general3A_95 : vector<200x200xf32>
    %slice3A = vector.extract_strided_slice %add3A_96 {offsets = [0, 0], sizes = [200, 128], strides = [1, 1]} : vector<200x200xf32> to vector<200x128xf32>
    %swap3A = arith.constant 0 : index
    %swap3A_97 = arith.constant 0 : index
    %swap3A_98 = vector.load %arg7[%swap3A, %swap3A_97] : memref<1200x128xf32, #tpu.memory_space<vmem>>, vector<200x128xf32>
    tpu.vector_store %arg7[%swap3A, %swap3A_97], %slice3A {strides = array<i32>} : memref<1200x128xf32, #tpu.memory_space<vmem>>, vector<200x128xf32>,
    %slice3A_99 = vector.extract_strided_slice %add3A_96 {offsets = [0, 128], sizes = [200, 72], strides = [1, 1]} : vector<200x200xf32> to vector<200x72xf32>
    %swap3A_100 = arith.constant 200 : index
    %swap3A_101 = arith.constant 0 : index
    %swap3A_102 = vector.load %arg7[%swap3A_100, %swap3A_101] : memref<1200x128xf32, #tpu.memory_space<vmem>>, vector<200x72xf32>
    tpu.vector_store %arg7[%swap3A_100, %swap3A_101], %slice3A_99 {strides = array<i32>} : memref<1200x128xf32, #tpu.memory_space<vmem>>, vector<200x72xf32>,
    %broadcast_in_dim3A_103 = arith.constant 0.000000e+00 : f32
    %broadcast_in_dim3A_104 = vector.broadcast %broadcast_in_dim3A_103 : f32 to vector<200x200xf32>
    %get3A_105 = arith.constant 0 : index
    %get3A_106 = arith.constant 0 : index
    %get3A_107 = arith.constant 0 : index
    %get3A_108 = vector.load %arg0[%get3A_105, %get3A_106, %get3A_107] : memref<4x200x300xf32, #tpu.memory_space<vmem>>, vector<1x200x300xf32>
    %get3A_109 = vector.shape_cast %get3A_108 : vector<1x200x300xf32> to vector<200x300xf32>
    %get3A_110 = arith.constant 1 : index
    %get3A_111 = arith.constant 0 : index
    %get3A_112 = arith.constant 0 : index
    %get3A_113 = vector.load %arg1[%get3A_110, %get3A_111, %get3A_112] : memref<3x4x300xf32, #tpu.memory_space<vmem>>, vector<1x1x300xf32>
    %get3A_114 = vector.shape_cast %get3A_113 : vector<1x1x300xf32> to vector<1x300xf32>
    %mul3A_115 = vector.broadcast %get3A_114 : vector<1x300xf32> to vector<200x300xf32>
    %mul3A_116 = arith.mulf %get3A_109, %mul3A_115 : vector<200x300xf32>
    %get3A_117 = arith.constant 0 : index
    %get3A_118 = arith.constant 0 : index
    %get3A_119 = vector.load %arg3[%get3A_117, %get3A_118] : memref<1x4xf32, #tpu.memory_space<vmem>>, vector<1x1xf32>
    %mul3A_120 = vector.broadcast %get3A_119 : vector<1x1xf32> to vector<200x300xf32>
    %mul3A_121 = arith.mulf %mul3A_116, %mul3A_120 : vector<200x300xf32>
    %get3A_122 = arith.constant 0 : index
    %get3A_123 = arith.constant 0 : index
    %get3A_124 = arith.constant 0 : index
    %get3A_125 = vector.load %arg2[%get3A_122, %get3A_123, %get3A_124] : memref<4x200x300xf32, #tpu.memory_space<vmem>>, vector<1x200x300xf32>
    %get3A_126 = vector.shape_cast %get3A_125 : vector<1x200x300xf32> to vector<200x300xf32>
    %dot_general3A_127 = arith.constant dense<0.000000e+00> : vector<200x200xf32>
    %dot_general3A_128 = tpu.matmul %mul3A_121, %get3A_126, %dot_general3A_127 {dimension_numbers = #tpu.dot_dimension_numbers<[1], [1], [0], [0], [0, 0, 1, 0], [], []>, transpose_lhs_hint = false} : vector<200x300xf32>, vector<200x300xf32>, vector<200x200xf32> -> vector<200x200xf32>
    %add3A_129 = arith.addf %broadcast_in_dim3A_104, %dot_general3A_128 : vector<200x200xf32>
    %get3A_130 = arith.constant 1 : index
    %get3A_131 = arith.constant 0 : index
    %get3A_132 = arith.constant 0 : index
    %get3A_133 = vector.load %arg0[%get3A_130, %get3A_131, %get3A_132] : memref<4x200x300xf32, #tpu.memory_space<vmem>>, vector<1x200x300xf32>
    %get3A_134 = vector.shape_cast %get3A_133 : vector<1x200x300xf32> to vector<200x300xf32>
    %get3A_135 = arith.constant 1 : index
    %get3A_136 = arith.constant 1 : index
    %get3A_137 = arith.constant 0 : index
    %get3A_138 = vector.load %arg1[%get3A_135, %get3A_136, %get3A_137] : memref<3x4x300xf32, #tpu.memory_space<vmem>>, vector<1x1x300xf32>
    %get3A_139 = vector.shape_cast %get3A_138 : vector<1x1x300xf32> to vector<1x300xf32>
    %mul3A_140 = vector.broadcast %get3A_139 : vector<1x300xf32> to vector<200x300xf32>
    %mul3A_141 = arith.mulf %get3A_134, %mul3A_140 : vector<200x300xf32>
    %get3A_142 = arith.constant 0 : index
    %get3A_143 = arith.constant 1 : index
    %get3A_144 = vector.load %arg3[%get3A_142, %get3A_143] : memref<1x4xf32, #tpu.memory_space<vmem>>, vector<1x1xf32>
    %mul3A_145 = vector.broadcast %get3A_144 : vector<1x1xf32> to vector<200x300xf32>
    %mul3A_146 = arith.mulf %mul3A_141, %mul3A_145 : vector<200x300xf32>
    %get3A_147 = arith.constant 1 : index
    %get3A_148 = arith.constant 0 : index
    %get3A_149 = arith.constant 0 : index
    %get3A_150 = vector.load %arg2[%get3A_147, %get3A_148, %get3A_149] : memref<4x200x300xf32, #tpu.memory_space<vmem>>, vector<1x200x300xf32>
    %get3A_151 = vector.shape_cast %get3A_150 : vector<1x200x300xf32> to vector<200x300xf32>
    %dot_general3A_152 = arith.constant dense<0.000000e+00> : vector<200x200xf32>
    %dot_general3A_153 = tpu.matmul %mul3A_146, %get3A_151, %dot_general3A_152 {dimension_numbers = #tpu.dot_dimension_numbers<[1], [1], [0], [0], [0, 0, 1, 0], [], []>, transpose_lhs_hint = false} : vector<200x300xf32>, vector<200x300xf32>, vector<200x200xf32> -> vector<200x200xf32>
    %add3A_154 = arith.addf %add3A_129, %dot_general3A_153 : vector<200x200xf32>
    %get3A_155 = arith.constant 2 : index
    %get3A_156 = arith.constant 0 : index
    %get3A_157 = arith.constant 0 : index
    %get3A_158 = vector.load %arg0[%get3A_155, %get3A_156, %get3A_157] : memref<4x200x300xf32, #tpu.memory_space<vmem>>, vector<1x200x300xf32>
    %get3A_159 = vector.shape_cast %get3A_158 : vector<1x200x300xf32> to vector<200x300xf32>
    %get3A_160 = arith.constant 1 : index
    %get3A_161 = arith.constant 2 : index
    %get3A_162 = arith.constant 0 : index
    %get3A_163 = vector.load %arg1[%get3A_160, %get3A_161, %get3A_162] : memref<3x4x300xf32, #tpu.memory_space<vmem>>, vector<1x1x300xf32>
    %get3A_164 = vector.shape_cast %get3A_163 : vector<1x1x300xf32> to vector<1x300xf32>
    %mul3A_165 = vector.broadcast %get3A_164 : vector<1x300xf32> to vector<200x300xf32>
    %mul3A_166 = arith.mulf %get3A_159, %mul3A_165 : vector<200x300xf32>
    %get3A_167 = arith.constant 0 : index
    %get3A_168 = arith.constant 2 : index
    %get3A_169 = vector.load %arg3[%get3A_167, %get3A_168] : memref<1x4xf32, #tpu.memory_space<vmem>>, vector<1x1xf32>
    %mul3A_170 = vector.broadcast %get3A_169 : vector<1x1xf32> to vector<200x300xf32>
    %mul3A_171 = arith.mulf %mul3A_166, %mul3A_170 : vector<200x300xf32>
    %get3A_172 = arith.constant 2 : index
    %get3A_173 = arith.constant 0 : index
    %get3A_174 = arith.constant 0 : index
    %get3A_175 = vector.load %arg2[%get3A_172, %get3A_173, %get3A_174] : memref<4x200x300xf32, #tpu.memory_space<vmem>>, vector<1x200x300xf32>
    %get3A_176 = vector.shape_cast %get3A_175 : vector<1x200x300xf32> to vector<200x300xf32>
    %dot_general3A_177 = arith.constant dense<0.000000e+00> : vector<200x200xf32>
    %dot_general3A_178 = tpu.matmul %mul3A_171, %get3A_176, %dot_general3A_177 {dimension_numbers = #tpu.dot_dimension_numbers<[1], [1], [0], [0], [0, 0, 1, 0], [], []>, transpose_lhs_hint = false} : vector<200x300xf32>, vector<200x300xf32>, vector<200x200xf32> -> vector<200x200xf32>
    %add3A_179 = arith.addf %add3A_154, %dot_general3A_178 : vector<200x200xf32>
    %get3A_180 = arith.constant 3 : index
    %get3A_181 = arith.constant 0 : index
    %get3A_182 = arith.constant 0 : index
    %get3A_183 = vector.load %arg0[%get3A_180, %get3A_181, %get3A_182] : memref<4x200x300xf32, #tpu.memory_space<vmem>>, vector<1x200x300xf32>
    %get3A_184 = vector.shape_cast %get3A_183 : vector<1x200x300xf32> to vector<200x300xf32>
    %get3A_185 = arith.constant 1 : index
    %get3A_186 = arith.constant 3 : index
    %get3A_187 = arith.constant 0 : index
    %get3A_188 = vector.load %arg1[%get3A_185, %get3A_186, %get3A_187] : memref<3x4x300xf32, #tpu.memory_space<vmem>>, vector<1x1x300xf32>
    %get3A_189 = vector.shape_cast %get3A_188 : vector<1x1x300xf32> to vector<1x300xf32>
    %mul3A_190 = vector.broadcast %get3A_189 : vector<1x300xf32> to vector<200x300xf32>
    %mul3A_191 = arith.mulf %get3A_184, %mul3A_190 : vector<200x300xf32>
    %get3A_192 = arith.constant 0 : index
    %get3A_193 = arith.constant 3 : index
    %get3A_194 = vector.load %arg3[%get3A_192, %get3A_193] : memref<1x4xf32, #tpu.memory_space<vmem>>, vector<1x1xf32>
    %mul3A_195 = vector.broadcast %get3A_194 : vector<1x1xf32> to vector<200x300xf32>
    %mul3A_196 = arith.mulf %mul3A_191, %mul3A_195 : vector<200x300xf32>
    %get3A_197 = arith.constant 3 : index
    %get3A_198 = arith.constant 0 : index
    %get3A_199 = arith.constant 0 : index
    %get3A_200 = vector.load %arg2[%get3A_197, %get3A_198, %get3A_199] : memref<4x200x300xf32, #tpu.memory_space<vmem>>, vector<1x200x300xf32>
    %get3A_201 = vector.shape_cast %get3A_200 : vector<1x200x300xf32> to vector<200x300xf32>
    %dot_general3A_202 = arith.constant dense<0.000000e+00> : vector<200x200xf32>
    %dot_general3A_203 = tpu.matmul %mul3A_196, %get3A_201, %dot_general3A_202 {dimension_numbers = #tpu.dot_dimension_numbers<[1], [1], [0], [0], [0, 0, 1, 0], [], []>, transpose_lhs_hint = false} : vector<200x300xf32>, vector<200x300xf32>, vector<200x200xf32> -> vector<200x200xf32>
    %add3A_204 = arith.addf %add3A_179, %dot_general3A_203 : vector<200x200xf32>
    %slice3A_205 = vector.extract_strided_slice %add3A_204 {offsets = [0, 0], sizes = [200, 128], strides = [1, 1]} : vector<200x200xf32> to vector<200x128xf32>
    %swap3A_206 = arith.constant 400 : index
    %swap3A_207 = arith.constant 0 : index
    %swap3A_208 = vector.load %arg7[%swap3A_206, %swap3A_207] : memref<1200x128xf32, #tpu.memory_space<vmem>>, vector<200x128xf32>
    tpu.vector_store %arg7[%swap3A_206, %swap3A_207], %slice3A_205 {strides = array<i32>} : memref<1200x128xf32, #tpu.memory_space<vmem>>, vector<200x128xf32>,
    %slice3A_209 = vector.extract_strided_slice %add3A_204 {offsets = [0, 128], sizes = [200, 72], strides = [1, 1]} : vector<200x200xf32> to vector<200x72xf32>
    %swap3A_210 = arith.constant 600 : index
    %swap3A_211 = arith.constant 0 : index
    %swap3A_212 = vector.load %arg7[%swap3A_210, %swap3A_211] : memref<1200x128xf32, #tpu.memory_space<vmem>>, vector<200x72xf32>
    tpu.vector_store %arg7[%swap3A_210, %swap3A_211], %slice3A_209 {strides = array<i32>} : memref<1200x128xf32, #tpu.memory_space<vmem>>, vector<200x72xf32>,
    %broadcast_in_dim3A_213 = arith.constant 0.000000e+00 : f32
    %broadcast_in_dim3A_214 = vector.broadcast %broadcast_in_dim3A_213 : f32 to vector<200x200xf32>
    %get3A_215 = arith.constant 0 : index
    %get3A_216 = arith.constant 0 : index
    %get3A_217 = arith.constant 0 : index
    %get3A_218 = vector.load %arg0[%get3A_215, %get3A_216, %get3A_217] : memref<4x200x300xf32, #tpu.memory_space<vmem>>, vector<1x200x300xf32>
    %get3A_219 = vector.shape_cast %get3A_218 : vector<1x200x300xf32> to vector<200x300xf32>
    %get3A_220 = arith.constant 2 : index
    %get3A_221 = arith.constant 0 : index
    %get3A_222 = arith.constant 0 : index
    %get3A_223 = vector.load %arg1[%get3A_220, %get3A_221, %get3A_222] : memref<3x4x300xf32, #tpu.memory_space<vmem>>, vector<1x1x300xf32>
    %get3A_224 = vector.shape_cast %get3A_223 : vector<1x1x300xf32> to vector<1x300xf32>
    %mul3A_225 = vector.broadcast %get3A_224 : vector<1x300xf32> to vector<200x300xf32>
    %mul3A_226 = arith.mulf %get3A_219, %mul3A_225 : vector<200x300xf32>
    %get3A_227 = arith.constant 0 : index
    %get3A_228 = arith.constant 0 : index
    %get3A_229 = vector.load %arg3[%get3A_227, %get3A_228] : memref<1x4xf32, #tpu.memory_space<vmem>>, vector<1x1xf32>
    %mul3A_230 = vector.broadcast %get3A_229 : vector<1x1xf32> to vector<200x300xf32>
    %mul3A_231 = arith.mulf %mul3A_226, %mul3A_230 : vector<200x300xf32>
    %get3A_232 = arith.constant 0 : index
    %get3A_233 = arith.constant 0 : index
    %get3A_234 = arith.constant 0 : index
    %get3A_235 = vector.load %arg2[%get3A_232, %get3A_233, %get3A_234] : memref<4x200x300xf32, #tpu.memory_space<vmem>>, vector<1x200x300xf32>
    %get3A_236 = vector.shape_cast %get3A_235 : vector<1x200x300xf32> to vector<200x300xf32>
    %dot_general3A_237 = arith.constant dense<0.000000e+00> : vector<200x200xf32>
    %dot_general3A_238 = tpu.matmul %mul3A_231, %get3A_236, %dot_general3A_237 {dimension_numbers = #tpu.dot_dimension_numbers<[1], [1], [0], [0], [0, 0, 1, 0], [], []>, transpose_lhs_hint = false} : vector<200x300xf32>, vector<200x300xf32>, vector<200x200xf32> -> vector<200x200xf32>
    %add3A_239 = arith.addf %broadcast_in_dim3A_214, %dot_general3A_238 : vector<200x200xf32>
    %get3A_240 = arith.constant 1 : index
    %get3A_241 = arith.constant 0 : index
    %get3A_242 = arith.constant 0 : index
    %get3A_243 = vector.load %arg0[%get3A_240, %get3A_241, %get3A_242] : memref<4x200x300xf32, #tpu.memory_space<vmem>>, vector<1x200x300xf32>
    %get3A_244 = vector.shape_cast %get3A_243 : vector<1x200x300xf32> to vector<200x300xf32>
    %get3A_245 = arith.constant 2 : index
    %get3A_246 = arith.constant 1 : index
    %get3A_247 = arith.constant 0 : index
    %get3A_248 = vector.load %arg1[%get3A_245, %get3A_246, %get3A_247] : memref<3x4x300xf32, #tpu.memory_space<vmem>>, vector<1x1x300xf32>
    %get3A_249 = vector.shape_cast %get3A_248 : vector<1x1x300xf32> to vector<1x300xf32>
    %mul3A_250 = vector.broadcast %get3A_249 : vector<1x300xf32> to vector<200x300xf32>
    %mul3A_251 = arith.mulf %get3A_244, %mul3A_250 : vector<200x300xf32>
    %get3A_252 = arith.constant 0 : index
    %get3A_253 = arith.constant 1 : index
    %get3A_254 = vector.load %arg3[%get3A_252, %get3A_253] : memref<1x4xf32, #tpu.memory_space<vmem>>, vector<1x1xf32>
    %mul3A_255 = vector.broadcast %get3A_254 : vector<1x1xf32> to vector<200x300xf32>
    %mul3A_256 = arith.mulf %mul3A_251, %mul3A_255 : vector<200x300xf32>
    %get3A_257 = arith.constant 1 : index
    %get3A_258 = arith.constant 0 : index
    %get3A_259 = arith.constant 0 : index
    %get3A_260 = vector.load %arg2[%get3A_257, %get3A_258, %get3A_259] : memref<4x200x300xf32, #tpu.memory_space<vmem>>, vector<1x200x300xf32>
    %get3A_261 = vector.shape_cast %get3A_260 : vector<1x200x300xf32> to vector<200x300xf32>
    %dot_general3A_262 = arith.constant dense<0.000000e+00> : vector<200x200xf32>
    %dot_general3A_263 = tpu.matmul %mul3A_256, %get3A_261, %dot_general3A_262 {dimension_numbers = #tpu.dot_dimension_numbers<[1], [1], [0], [0], [0, 0, 1, 0], [], []>, transpose_lhs_hint = false} : vector<200x300xf32>, vector<200x300xf32>, vector<200x200xf32> -> vector<200x200xf32>
    %add3A_264 = arith.addf %add3A_239, %dot_general3A_263 : vector<200x200xf32>
    %get3A_265 = arith.constant 2 : index
    %get3A_266 = arith.constant 0 : index
    %get3A_267 = arith.constant 0 : index
    %get3A_268 = vector.load %arg0[%get3A_265, %get3A_266, %get3A_267] : memref<4x200x300xf32, #tpu.memory_space<vmem>>, vector<1x200x300xf32>
    %get3A_269 = vector.shape_cast %get3A_268 : vector<1x200x300xf32> to vector<200x300xf32>
    %get3A_270 = arith.constant 2 : index
    %get3A_271 = arith.constant 2 : index
    %get3A_272 = arith.constant 0 : index
    %get3A_273 = vector.load %arg1[%get3A_270, %get3A_271, %get3A_272] : memref<3x4x300xf32, #tpu.memory_space<vmem>>, vector<1x1x300xf32>
    %get3A_274 = vector.shape_cast %get3A_273 : vector<1x1x300xf32> to vector<1x300xf32>
    %mul3A_275 = vector.broadcast %get3A_274 : vector<1x300xf32> to vector<200x300xf32>
    %mul3A_276 = arith.mulf %get3A_269, %mul3A_275 : vector<200x300xf32>
    %get3A_277 = arith.constant 0 : index
    %get3A_278 = arith.constant 2 : index
    %get3A_279 = vector.load %arg3[%get3A_277, %get3A_278] : memref<1x4xf32, #tpu.memory_space<vmem>>, vector<1x1xf32>
    %mul3A_280 = vector.broadcast %get3A_279 : vector<1x1xf32> to vector<200x300xf32>
    %mul3A_281 = arith.mulf %mul3A_276, %mul3A_280 : vector<200x300xf32>
    %get3A_282 = arith.constant 2 : index
    %get3A_283 = arith.constant 0 : index
    %get3A_284 = arith.constant 0 : index
    %get3A_285 = vector.load %arg2[%get3A_282, %get3A_283, %get3A_284] : memref<4x200x300xf32, #tpu.memory_space<vmem>>, vector<1x200x300xf32>
    %get3A_286 = vector.shape_cast %get3A_285 : vector<1x200x300xf32> to vector<200x300xf32>
    %dot_general3A_287 = arith.constant dense<0.000000e+00> : vector<200x200xf32>
    %dot_general3A_288 = tpu.matmul %mul3A_281, %get3A_286, %dot_general3A_287 {dimension_numbers = #tpu.dot_dimension_numbers<[1], [1], [0], [0], [0, 0, 1, 0], [], []>, transpose_lhs_hint = false} : vector<200x300xf32>, vector<200x300xf32>, vector<200x200xf32> -> vector<200x200xf32>
    %add3A_289 = arith.addf %add3A_264, %dot_general3A_288 : vector<200x200xf32>
    %get3A_290 = arith.constant 3 : index
    %get3A_291 = arith.constant 0 : index
    %get3A_292 = arith.constant 0 : index
    %get3A_293 = vector.load %arg0[%get3A_290, %get3A_291, %get3A_292] : memref<4x200x300xf32, #tpu.memory_space<vmem>>, vector<1x200x300xf32>
    %get3A_294 = vector.shape_cast %get3A_293 : vector<1x200x300xf32> to vector<200x300xf32>
    %get3A_295 = arith.constant 2 : index
    %get3A_296 = arith.constant 3 : index
    %get3A_297 = arith.constant 0 : index
    %get3A_298 = vector.load %arg1[%get3A_295, %get3A_296, %get3A_297] : memref<3x4x300xf32, #tpu.memory_space<vmem>>, vector<1x1x300xf32>
    %get3A_299 = vector.shape_cast %get3A_298 : vector<1x1x300xf32> to vector<1x300xf32>
    %mul3A_300 = vector.broadcast %get3A_299 : vector<1x300xf32> to vector<200x300xf32>
    %mul3A_301 = arith.mulf %get3A_294, %mul3A_300 : vector<200x300xf32>
    %get3A_302 = arith.constant 0 : index
    %get3A_303 = arith.constant 3 : index
    %get3A_304 = vector.load %arg3[%get3A_302, %get3A_303] : memref<1x4xf32, #tpu.memory_space<vmem>>, vector<1x1xf32>
    %mul3A_305 = vector.broadcast %get3A_304 : vector<1x1xf32> to vector<200x300xf32>
    %mul3A_306 = arith.mulf %mul3A_301, %mul3A_305 : vector<200x300xf32>
    %get3A_307 = arith.constant 3 : index
    %get3A_308 = arith.constant 0 : index
    %get3A_309 = arith.constant 0 : index
    %get3A_310 = vector.load %arg2[%get3A_307, %get3A_308, %get3A_309] : memref<4x200x300xf32, #tpu.memory_space<vmem>>, vector<1x200x300xf32>
    %get3A_311 = vector.shape_cast %get3A_310 : vector<1x200x300xf32> to vector<200x300xf32>
    %dot_general3A_312 = arith.constant dense<0.000000e+00> : vector<200x200xf32>
    %dot_general3A_313 = tpu.matmul %mul3A_306, %get3A_311, %dot_general3A_312 {dimension_numbers = #tpu.dot_dimension_numbers<[1], [1], [0], [0], [0, 0, 1, 0], [], []>, transpose_lhs_hint = false} : vector<200x300xf32>, vector<200x300xf32>, vector<200x200xf32> -> vector<200x200xf32>
    %add3A_314 = arith.addf %add3A_289, %dot_general3A_313 : vector<200x200xf32>
    %slice3A_315 = vector.extract_strided_slice %add3A_314 {offsets = [0, 0], sizes = [200, 128], strides = [1, 1]} : vector<200x200xf32> to vector<200x128xf32>
    %swap3A_316 = arith.constant 800 : index
    %swap3A_317 = arith.constant 0 : index
    %swap3A_318 = vector.load %arg7[%swap3A_316, %swap3A_317] : memref<1200x128xf32, #tpu.memory_space<vmem>>, vector<200x128xf32>
    tpu.vector_store %arg7[%swap3A_316, %swap3A_317], %slice3A_315 {strides = array<i32>} : memref<1200x128xf32, #tpu.memory_space<vmem>>, vector<200x128xf32>,
    %slice3A_319 = vector.extract_strided_slice %add3A_314 {offsets = [0, 128], sizes = [200, 72], strides = [1, 1]} : vector<200x200xf32> to vector<200x72xf32>
    %swap3A_320 = arith.constant 1000 : index
    %swap3A_321 = arith.constant 0 : index
    %swap3A_322 = vector.load %arg7[%swap3A_320, %swap3A_321] : memref<1200x128xf32, #tpu.memory_space<vmem>>, vector<200x72xf32>
    tpu.vector_store %arg7[%swap3A_320, %swap3A_321], %slice3A_319 {strides = array<i32>} : memref<1200x128xf32, #tpu.memory_space<vmem>>, vector<200x72xf32>,
    %get3A_323 = arith.constant 0 : index
    %get3A_324 = arith.constant 0 : index
    %get3A_325 = vector.load %arg6[%get3A_323, %get3A_324] : memref<128x128xi32, #tpu.memory_space<vmem>>, vector<128x128xi32>
    %get3A_326 = arith.constant 0 : index
    %get3A_327 = arith.constant 0 : index
    %get3A_328 = vector.load %arg5[%get3A_326, %get3A_327] : memref<128x128xi32, #tpu.memory_space<vmem>>, vector<128x128xi32>
    %mul3A_329 = arith.constant 51200 : i32
    %mul3A_330 = vector.broadcast %mul3A_329 : i32 to vector<128x128xi32>
    %mul3A_331 = arith.muli %get3A_328, %mul3A_330 : vector<128x128xi32>
    %shift_right_arithmetic3A = arith.constant 7 : i32
    %shift_right_arithmetic3A_332 = vector.broadcast %shift_right_arithmetic3A : i32 to vector<128x128xi32>
    %shift_right_arithmetic3A_333 = arith.shrsi %get3A_325, %shift_right_arithmetic3A_332 : vector<128x128xi32>
    %mul3A_334 = arith.constant 25600 : i32
    %mul3A_335 = vector.broadcast %mul3A_334 : i32 to vector<128x128xi32>
    %mul3A_336 = arith.muli %shift_right_arithmetic3A_333, %mul3A_335 : vector<128x128xi32>
    %add3A_337 = arith.addi %mul3A_331, %mul3A_336 : vector<128x128xi32>
    %get3A_338 = arith.constant 0 : index
    %get3A_339 = arith.constant 0 : index
    %get3A_340 = vector.load %arg4[%get3A_338, %get3A_339] : memref<128x128xi32, #tpu.memory_space<vmem>>, vector<128x128xi32>
    %mul3A_341 = arith.constant 128 : i32
    %mul3A_342 = vector.broadcast %mul3A_341 : i32 to vector<128x128xi32>
    %mul3A_343 = arith.muli %get3A_340, %mul3A_342 : vector<128x128xi32>
    %add3A_344 = arith.addi %add3A_337, %mul3A_343 : vector<128x128xi32>
    %and3A = arith.constant 127 : i32
    %and3A_345 = vector.broadcast %and3A : i32 to vector<128x128xi32>
    %and3A_346 = arith.andi %get3A_325, %and3A_345 : vector<128x128xi32>
    %add3A_347 = arith.addi %add3A_344, %and3A_346 : vector<128x128xi32>
    %swap3A_348 = arith.constant 0 : index
    %swap3A_349 = arith.constant 0 : index
    %swap3A_350 = vector.load %arg8[%swap3A_348, %swap3A_349] : memref<128x128xi32, #tpu.memory_space<vmem>>, vector<128x128xi32>
    tpu.vector_store %arg8[%swap3A_348, %swap3A_349], %add3A_347 {strides = array<i32>} : memref<128x128xi32, #tpu.memory_space<vmem>>, vector<128x128xi32>,
    return
  }
}

</mosaic_0001>

<sc_bundles>
// kernel: kernel.5.cloned.1.call-start
scs
__scs_entry_jumppad:
0x0: {  	(pc) =	sbr.rel $0x88, $3  }
0x1: {  	(tag) =	ssettag $0x0;
	lr =	simm.s32 $0x1  }
0x2: {  	[smem:$0x3F9A] =	sst lr;
	_ =	strace $0xD0000000  }
0x3: {  	_ = 	snop  }
0x4: {  	_ = 	snop  }
0x5: {  	_ = 	snop  }
0x6: {  	_ = 	snop  }
0x7: {  	_ = 	snop  }
__scs_overlays_trampoline_lowered:
0x8: {  	[smem:$0x3FA9] =	sst s0  }
0x9: {  	[smem:$0x3FAA] =	sst s1  }
0xa: {  	[smem:$0x3FAB] =	sst s2  }
0xb: {  	[smem:$0x3FAC] =	sst s3  }
0xc: {  	[smem:$0x3FAD] =	sst s4  }
0xd: {  	[smem:$0x3FAE] =	sst s5  }
0xe: {  	[smem:$0x3FAF] =	sst s6  }
0xf: {  	[smem:$0x3FB0] =	sst s7  }
0x10: {  	[smem:$0x3FB1] =	sst s8  }
0x11: {  	[smem:$0x3FB2] =	sst s9;
	s0 =	simm.s32 @!p0 $0x0  }
0x12: {  	s1 =	sld [smem:$0x3F98];
	s0 =	simm.s32 @p0 $0x1  }
0x13: {  	[smem:$0x3FB3] =	sst s0;
	s0 =	simm.s32 @!p1 $0x0  }
0x14: {  	s2 =	sld [smem:$0x3F97];
	s0 =	simm.s32 @p1 $0x1  }
0x15: {  	[smem:$0x3FB4] =	sst s0;
	s0 =	simm.s32 @!p2 $0x0  }
0x16: {  	s3 =	sld [smem:$0x3FDB];
	s0 =	simm.s32 @p2 $0x1  }
0x17: {  	s4 =	simm.s32 $0x1BF5;
	[smem:$0x3FB6] =	sst s0  }
0x18: {  	s0 =	sld [smem:$0x3F99];
	_ =	swait.ge [sflag:s4], $0x0  }
0x19: {  	s7 =	sld [smem:$0x3F9A]  }
0x1a: {  	s8 =	sadd.s32 $0xFFFFE003, lr  }
0x1b: {  	s9 =	sadd.s32 $0xFFFFFEF7, lr;
	s5 =	simm.s32 $0xFFFFFFFF;
	p2 =	slt.u32 s8, $0xFFFFF086  }
0x1c: {  	p1 =	slt.u32 s9, $0xF7A;
	s5 =	simm.s32 @!p2 $0x0  }
0x1d: {  	s5 =	simm.s32 @p1 $0x1;
	p0 =	seq.s32 s7, s2  }
0x1e: {  	s7 =	smul.u32 @!p0 $0xF7A, s2;
	p2 =	seq.s32 @!p0 s5, $0x0  }
0x1f: {  	s9 =	smul.u32 $0xF7A, s1;
	s8 =	simm.s32 @!p0 $0x1BF5;
	p2 =	por !p2, p0  }
0x20: {  	[sflag:s8] =	ssyncset.s32 @!p0 $0xFFFFF086;
	s6 =	sadd.s32 @!p0 s3, s7;
	s7 =	simm.s32 @!p0 $0x108  }
0x21: {  	s3 =	sadd.s32 s3, s9;
	s6 =	sadd.s32 @!p0 $0x88, s6;
	s7 =	simm.s32 @p2 $0x1082  }
0x22: {  	[simem:s7], [sflag:s8] =	dma.local @!p0 [hbm:s6], $0xF7A  }
0x23: {  	s9 =	sor.u32 $0xD0000000, s2;
	s6 =	simm.s32 $0x108;
	_ =	swait.ge @!p0 [sflag:s8], $0x0  }
0x24: {  	s3 =	sadd.s32 $0x88, s3;
	s6 =	simm.s32 @!p1 $0x1082;
	[sflag:s4] =	ssyncset.s32 $0xFFFFF086  }
0x25: {  	[simem:s6], [sflag:s4] =	dma.local [hbm:s3], $0xF7A  }
0x26: {  	[smem:$0x3F9A] =	sst s1;
	(tag) =	ssettag s2;
	_ =	strace s9  }
0x27: {  	s1 =	sld [smem:$0x3FAA]  }
0x28: {  	s2 =	sld [smem:$0x3FAB]  }
0x29: {  	s4 =	sld [smem:$0x3FAD]  }
0x2a: {  	p0 =	seq.s32 s5, $0x0;
	s5 =	sld [smem:$0x3FAE]  }
0x2b: {  	s6 =	sld [smem:$0x3FAF]  }
0x2c: {  	s7 =	sld [smem:$0x3FB0]  }
0x2d: {  	s3 =	simm.s32 $0x108;
	s8 =	sld [smem:$0x3FB1]  }
0x2e: {  	s3 =	simm.s32 @!p0 $0x1082;
	s9 =	sld [smem:$0x3FB2]  }
0x2f: {  	lr =	sadd.s32 s0, s3;
	s0 =	sld [smem:$0x3FA9]  }
0x30: {  	s3 =	sld [smem:$0x3FAC]  }
0x31: {  	[smem:$0x3FB5] =	sst s10  }
0x32: {  	s10 =	sld [smem:$0x3FB3];
	_ =	sdelay $0x3  }
0x33: {  	p0 =	seq.s32 s10, $0x1;
	s10 =	sld [smem:$0x3FB5];
	_ =	sdelay $0x3  }
0x34: {  	[smem:$0x3FB5] =	sst s10  }
0x35: {  	s10 =	sld [smem:$0x3FB4];
	_ =	sdelay $0x3  }
0x36: {  	p1 =	seq.s32 s10, $0x1;
	s10 =	sld [smem:$0x3FB5];
	_ =	sdelay $0x3  }
0x37: {  	[smem:$0x3FB5] =	sst s10  }
0x38: {  	s10 =	sld [smem:$0x3FB6]  }
0x39: {  	_ = 	snop;
	(pc) =	sbr.ind lr, $3  }
0x3a: {  	_ = 	snop  }
0x3b: {  	_ = 	snop  }
0x3c: {  	p2 =	seq.s32 s10, $0x1;
	s10 =	sld [smem:$0x3FB5]  }
0x3d: {  	_ =	shalt  }
0x3e: {  	_ =	shalt  }
0x3f: {  	_ =	shalt  }
0x40: {  	_ =	shalt  }
0x41: {  	_ =	shalt  }
0x42: {  	_ =	shalt  }
0x43: {  	_ =	shalt  }
0x44: {  	_ =	shalt  }
0x45: {  	_ =	shalt  }
0x46: {  	_ =	shalt  }
0x47: {  	_ =	shalt  }
0x48: {  	_ =	shalt  }
0x49: {  	_ =	shalt  }
0x4a: {  	_ =	shalt  }
0x4b: {  	_ =	shalt  }
0x4c: {  	_ =	shalt  }
0x4d: {  	_ =	shalt  }
0x4e: {  	_ =	shalt  }
0x4f: {  	_ =	shalt  }
0x50: {  	_ =	shalt  }
0x51: {  	_ =	shalt  }
0x52: {  	_ =	shalt  }
0x53: {  	_ =	shalt  }
0x54: {  	_ =	shalt  }
0x55: {  	_ =	shalt  }
0x56: {  	_ =	shalt  }
0x57: {  	_ =	shalt  }
0x58: {  	_ =	shalt  }
0x59: {  	_ =	shalt  }
0x5a: {  	_ =	shalt  }
0x5b: {  	_ =	shalt  }
0x5c: {  	_ =	shalt  }
0x5d: {  	_ =	shalt  }
0x5e: {  	_ =	shalt  }
0x5f: {  	_ =	shalt  }
0x60: {  	_ =	shalt  }
0x61: {  	_ =	shalt  }
0x62: {  	_ =	shalt  }
0x63: {  	_ =	shalt  }
0x64: {  	_ =	shalt  }
0x65: {  	_ =	shalt  }
0x66: {  	_ =	shalt  }
0x67: {  	_ =	shalt  }
0x68: {  	_ =	shalt  }
0x69: {  	_ =	shalt  }
0x6a: {  	_ =	shalt  }
0x6b: {  	_ =	shalt  }
0x6c: {  	_ =	shalt  }
0x6d: {  	_ =	shalt  }
0x6e: {  	_ =	shalt  }
0x6f: {  	_ =	shalt  }
0x70: {  	_ =	shalt  }
0x71: {  	_ =	shalt  }
0x72: {  	_ =	shalt  }
0x73: {  	_ =	shalt  }
0x74: {  	_ =	shalt  }
0x75: {  	_ =	shalt  }
0x76: {  	_ =	shalt  }
0x77: {  	_ =	shalt  }
0x78: {  	_ =	shalt  }
0x79: {  	_ =	shalt  }
0x7a: {  	_ =	shalt  }
0x7b: {  	_ =	shalt  }
0x7c: {  	_ =	shalt  }
0x7d: {  	_ =	shalt  }
0x7e: {  	_ =	shalt  }
0x7f: {  	_ =	shalt  }
0x80: {  	_ =	shalt  }
0x81: {  	_ =	shalt  }
0x82: {  	_ =	shalt  }
0x83: {  	_ =	shalt  }
0x84: {  	_ =	shalt  }
0x85: {  	_ =	shalt  }
0x86: {  	_ =	shalt  }
0x87: {  	_ =	shalt  }
.Lfunc_end0:
.L_simem_size_0:
called_computation_lowered:
.L_overlay_start_0:
0x88: {  	s2 =	sld [smem:$0x3FD9]  }
0x89: {  	s3 =	sld [smem:$0x3FFE];
	_ =	sdelay $0x1  }
0x8a: {  	s1 =	srdreg.scid  }
0x8b: {  	s0 =	sand.u32 $0x1, s1  }
0x8c: {  	s16 =	sshll.u32 s0, $0xA;
	s2 =	sadd.s32 s3, s2  }
0x8d: {  	s2 =	sadd.s32 s2, s16  }
0x8e: {  	[smem:$0x3FC1] =	sst s2  }
0x8f: {  	_ = 	snop  }
0x90: {  	(tm) =	ssettm $0x1  }
0x91: {  	s17 =	sld [smem:$0x3FFB];
	_ =	sdelay $0x3  }
0x92: {  	_ =	strace s17  }
0x93: {  	s2 =	sld [smem:$0x3FFC];
	_ =	sdelay $0x3  }
0x94: {  	_ =	strace s2  }
0x95: {  	s2 =	sld [smem:$0x3FFD];
	_ =	sdelay $0x3  }
0x96: {  	_ =	strace s2  }
0x97: {  	_ =	strace $0x8FFFFFFF  }
0x98: {  	s18 =	sld [smem:$0x3FDB];
	_ =	sdelay $0x1  }
0x99: {  	s19 =	simm.s32 $_scs_section_size  }
0x9a: {  	s4 =	simm.s32 $_size__tile_overlayer_lowered;
	s5 =	simm.s32 $_tile_overlayer_lowered  }
0x9b: {  	s22 =	simm.s32 $0x1BFF;
	s21 =	sshll.u32 s5, $0x1;
	s2 =	sadd.s32 s19, s18  }
0x9c: {  	s6 =	simm.s32 $0x0;
	s20 =	sshll.u32 s4, $0x1;
	s4 =	sadd.s32 s21, s2  }
0x9d: {  	[timem:s6], [sflag:s22] =	dma.local [hbm:s4], s20  }
0x9e: {  	_ =	swait.ge [sflag:s22], s20  }
0x9f: {  	s3 =	ssub.s32 $0x0, s20;
	[sflag:s22] =	ssyncset.done $0x0  }
0xa0: {  	[sflag:s22] =	ssyncadd.s32 s3;
	_ =	sdelay $0x1  }
0xa1: {  	s23 =	simm.s32 $0x1B8B  }
0xa2: {  	_ =	swait.ge [sflag:s23], $0x1  }
0xa3: {  	[sflag:s23] =	ssyncset.done $0x0  }
0xa4: {  	s25 =	simm.s32 $0x1B8E;
	s24 =	sld [smem:$0x3FFE];
	[sflag:s23] =	ssyncadd.s32 $0xFFFFFFFF  }
0xa5: {  	s26 =	simm.s32 $execute0_lowered;
	[smem:$0x3FD2] =	sst s25  }
0xa6: {  	s4 =	sshll.u32 s26, $0x1;
	_ =	strace $0x80000046;
	[dreg:$0x1] =	wrdreg $0xFFFFFFFF  }
0xa7: {  	s28 =	simm.s32 $_size_execute0_lowered;
	s2 =	sadd.s32 s2, s4;
	[dreg:$0x0] =	wrdreg $0x0  }
0xa8: {  	s4 =	sshll.u32 s28, $0x1;
	[dreg:$0x2] =	wrdreg s2  }
0xa9: {  	[dreg:$0x3] =	wrdreg s4  }
0xaa: {  	[dreg:$0x4] =	wrdreg $0xC0  }
0xab: {  	_ =	task [dreg:s6], $0x5FFFF  }
0xac: {  	[dreg:$0x1] =	wrdreg $0xFFFFFFFF  }
0xad: {  	[dreg:$0x0] =	wrdreg $0x60  }
0xae: {  	[dreg:$0x2] =	wrdreg s24  }
0xaf: {  	[dreg:$0x3] =	wrdreg $0x9  }
0xb0: {  	_ =	task.clear_ibuf [dreg:s6], $0x4FFFF;
	_ =	strace $0x90000046  }
0xb1: {  	s29 =	simm.s32 $0x9;
	_ =	strace $0x80000048  }
0xb2: {  	_ =	swait.ge [sflag:s29], $0x1  }
0xb3: {  	[sflag:s29] =	ssyncadd.s32 $0xFFFFFFFF  }
0xb4: {  	_ =	strace $0x90000048  }
0xb5: {  	_ =	sfence  }
0xb6: {  	s30 =	sld [smem:$0x0];
	_ =	sdelay $0x2  }
0xb7: {  	s31 =	sshll.u32 s1, $0xD;
	s1 =	sshrl.u32 s1, $0x2  }
0xb8: {  	s3 =	sand.u32 $0x4000, s31;
	s1 =	sadd.s32 s1, s30  }
0xb9: {  	s0 =	sor.u32 s3, s0;
	s1 =	sshll.u32 s1, $0x11  }
0xba: {  	s0 =	sor.u32 s1, s0  }
0xbb: {  	s0 =	sadd.s32 $0x8F2B, s0  }
0xbc: {  	[sflag:s0] =	ssyncadd.remote.s32 $0x1  }
0xbd: {  	_ =	sfence.sel $0xFFFF  }
0xbe: {  	[dreg:$0x0] =	wrdreg $0xFFFFFFFF;
	(pc) =	sbr.abs _section_cstart, $3  }
0xbf: {  	[dreg:$0x1] =	wrdreg $0xFFFFFFFF  }
0xc0: {  	_ =	task.clear_ibuf [dreg:s6], $0x2FFFF;
	_ =	strace $0x9FFFFFFF  }
0xc1: {  	(tm) =	ssettm $0x7FFFFFFF  }
tec
execute0_lowered:
.L_overlay_start_1:
0x0: {  	(tag) =	ssettag $0x1  }
0x1: {  	s4 =	rddreg [dreg:$0x0]  }
0x2: {  	s0 =	rddreg [dreg:$0x1]  }
0x3: {  	s2 =	simm.s32 $0x0;
	s3 =	srdreg.scid;
	s1 =	stileid.u32  }
0x4: {  	s9 =	simm.s32 $0x400;
	s10 =	simm.s32 $0x2;
	s11 =	simm.s32 $0x0  }
0x5: {  	[smem:$0x7FF] =	sst s2;
	s5 =	sand.u32 $0x1, s3;
	s6 =	sshll.u32 s1, $0x1  }
0x6: {  	s3 =	sadd.s32 $0x1A00, s4;
	_ =	strace $0x80000047;
	s6 =	sor.u32 s5, s6  }
0x7: {  	s5 =	ssub.s32 $0x2, s5;
	s7 =	sshll.u32 s6, $0x6;
	s6 =	sshll.u32 s6, $0x1  }
0x8: {  	s31 =	sshrl.u32 s5, $0x1;
	s7 =	sadd.s32 s7, s4;
	s6 =	sadd.s32 s6, s4  }
0x9: {  	v0 =	vlaneseq.u32;
	s8 =	ssub.s32 s5, s31;
	s4 =	sadd.s32 $0x6600, s7;
	s5 =	sadd.s32 $0x6E00, s6  }
0xa: {  	v0 =	vmul.u32 $0x4, v0;
	s6 =	smax.u32 s8, $0x1;
	s7 =	simm.s32 $0x1;
	s8 =	simm.s32 $0x200  }
.LBB2_1:
0xb: {  	[tilespmem:s2], [sflag:$0x1] =	stream.linear.gather [hbm4b:s4+s2], $0x200, $0x38;
	[tilespmem:$0x480] =	vst v63  }
0xc: {  	v1 =	vmov s2;
	_ =	swait.ge [sflag:s7], $0x200  }
0xd: {  	v1 =	vshll.u32 v1, $0x2;
	[sflag:s7] =	ssyncset.done $0x0  }
0xe: {  	v1 =	vor.u32 v0, v1;
	[sflag:s7] =	ssyncadd.s32 $0xFFFFFE00  }
0xf: {  	v2 =	vor.u32 $0x1, v1;
	[tilespmem:s8], [sflag:$0x1] =	stream.indirect.gather [hbm4b:s3+s8], $0x1, s2, s8, $0xb8;
	[tilespmem:$0x480] =	vst v63  }
0x10: {  	_ =	swait.ge [sflag:s7], $0x200  }
0x11: {  	s12 =	simm.s32 $0x10;
	v3 =	vor.u32 $0x2, v1;
	[sflag:s7] =	ssyncset.done $0x0  }
0x12: {  	v4 =	vmov s12;
	[sflag:s7] =	ssyncadd.s32 $0xFFFFFE00  }
0x13: {  	v4 =	vshll.u32 v4, $0x2;
	v6 =	vld.idx.msk [tilespmem:v1+s8+$0x0], $0xffff;
	v1 =	vor.u32 $0x3, v1  }
0x14: {  	v4 =	vor.u32 v0, v4;
	v5 =	vld.idx.msk [tilespmem:v2+s8+$0x0], $0xffff  }
0x15: {  	v7 =	vor.u32 $0x1, v4  }
0x16: {  	s30 =	simm.s32 $0x20;
	v3 =	vld.idx.msk [tilespmem:v3+s8+$0x0], $0xffff  }
0x17: {  	v8 =	vor.u32 $0x2, v4;
	v2 =	vmov s30  }
0x18: {  	v9 =	vor.u32 $0x3, v4;
	v2 =	vshll.u32 v2, $0x2;
	v1 =	vld.idx.msk [tilespmem:v1+s8+$0x0], $0xffff  }
0x19: {  	v10 =	vor.u32 v0, v2;
	v2 =	vld.idx.msk [tilespmem:v4+s8+$0x0], $0xffff;
	v4 =	vsub.f32 v5, v6  }
0x1a: {  	s31 =	simm.s32 $0x30;
	v11 =	vld.idx.msk [tilespmem:v7+s8+$0x0], $0xffff;
	v12 =	vor.u32 $0x1, v10  }
0x1b: {  	v7 =	vmov s31;
	v3 =	vsub.f32 v3, v6;
	v13 =	vadd.f32 $1.000000000e+00, v4  }
0x1c: {  	v14 =	vimm.f32 $0.0e+00;
	v7 =	vshll.u32 v7, $0x2;
	v5 =	vld.idx.msk [tilespmem:v8+s8+$0x0], $0xffff;
	v8 =	vor.u32 $0x2, v10  }
0x1d: {  	v4 =	vld.idx.msk [tilespmem:v9+s8+$0x0], $0xffff;
	v9 =	vmax.f32 v13, $0.0e+00;
	v13 =	vadd.f32 $1.000000000e+00, v3;
	v15 =	vsub.f32 v1, v6  }
0x1e: {  	v3 =	vor.u32 v0, v7;
	v7 =	vor.u32 $0x3, v10;
	v1 =	vld.idx.msk [tilespmem:v10+s8+$0x0], $0xffff;
	v9 =	vadd.f32 v9, v14  }
0x1f: {  	s12 =	simm.s32 $0x40;
	v6 =	vld.idx.msk [tilespmem:v12+s8+$0x0], $0xffff;
	v10 =	vsub.f32 v11, v2;
	v12 =	vmax.f32 v13, $0.0e+00;
	v11 =	vadd.f32 $1.000000000e+00, v15  }
.LBB2_2:
0x20: {  	v13 =	vmov s12;
	v14 =	vor.u32 $0x1, v3;
	v9 =	vadd.f32 v12, v9;
	p0 =	sne.s32 s12, $0x70  }
.Ltmp0:
0x21: {  	v12 =	vsub.f32 v5, v2;
	v10 =	vadd.f32 $1.000000000e+00, v10;
	v5 =	vld.idx.msk [tilespmem:v8+s8+$0x0], $0xffff;
	v11 =	vmax.f32 v11, $0.0e+00;
	(pc) =	sbr.rel @p0 .LBB2_2-.Ltmp0, $4  }
0x22: {  	v13 =	vshll.u32 v13, $0x2;
	v8 =	vor.u32 $0x2, v3;
	v9 =	vadd.f32 v11, v9  }
0x23: {  	s12 =	sadd.s32 $0x10, s12;
	v11 =	vadd.f32 $1.000000000e+00, v12;
	v15 =	vsub.f32 v4, v2;
	v10 =	vmax.f32 v10, $0.0e+00;
	v4 =	vld.idx.msk [tilespmem:v7+s8+$0x0], $0xffff  }
0x24: {  	v7 =	vor.u32 $0x3, v3;
	v2 =	vmovc v1;
	v9 =	vadd.f32 v10, v9;
	v1 =	vld.idx.msk [tilespmem:v3+s8+$0x0], $0xffff;
	v3 =	vor.u32 v0, v13  }
0x25: {  	v10 =	vsub.f32 v6, v2;
	v12 =	vmax.f32 v11, $0.0e+00;
	v11 =	vadd.f32 $1.000000000e+00, v15;
	v6 =	vld.idx.msk [tilespmem:v14+s8+$0x0], $0xffff  }
0x26: {  	_ =	sdelay $0x1  }
0x27: {  	v13 =	vor.u32 $0x1, v3;
	v9 =	vadd.f32 v12, v9  }
0x28: {  	v5 =	vsub.f32 v5, v2;
	v10 =	vadd.f32 $1.000000000e+00, v10;
	v11 =	vmax.f32 v11, $0.0e+00  }
0x29: {  	v8 =	vld.idx.msk [tilespmem:v8+s8+$0x0], $0xffff;
	v53 =	vor.u32 $0x2, v3;
	v9 =	vadd.f32 v11, v9  }
0x2a: {  	v5 =	vadd.f32 $1.000000000e+00, v5;
	v2 =	vsub.f32 v4, v2;
	v10 =	vmax.f32 v10, $0.0e+00  }
0x2b: {  	v54 =	vld.idx.msk [tilespmem:v7+s8+$0x0], $0xffff;
	v55 =	vor.u32 $0x3, v3;
	v9 =	vadd.f32 v10, v9  }
0x2c: {  	v3 =	vld.idx.msk [tilespmem:v3+s8+$0x0], $0xffff;
	v6 =	vsub.f32 v6, v1;
	v5 =	vmax.f32 v5, $0.0e+00;
	v2 =	vadd.f32 $1.000000000e+00, v2  }
0x2d: {  	v56 =	vld.idx.msk [tilespmem:v13+s8+$0x0], $0xffff;
	v5 =	vadd.f32 v5, v9  }
0x2e: {  	v8 =	vsub.f32 v8, v1;
	v6 =	vadd.f32 $1.000000000e+00, v6;
	v2 =	vmax.f32 v2, $0.0e+00  }
0x2f: {  	v57 =	vld.idx.msk [tilespmem:v53+s8+$0x0], $0xffff;
	v2 =	vadd.f32 v2, v5  }
0x30: {  	v1 =	vsub.f32 v54, v1;
	v59 =	vadd.f32 $1.000000000e+00, v8;
	v58 =	vmax.f32 v6, $0.0e+00  }
0x31: {  	v60 =	vld.idx.msk [tilespmem:v55+s8+$0x0], $0xffff;
	v2 =	vadd.f32 v58, v2  }
0x32: {  	v1 =	vadd.f32 $1.000000000e+00, v1;
	v6 =	vmax.f32 v59, $0.0e+00;
	v61 =	vsub.f32 v56, v3  }
0x33: {  	v2 =	vadd.f32 v6, v2  }
0x34: {  	v1 =	vmax.f32 v1, $0.0e+00;
	v62 =	vsub.f32 v57, v3;
	v5 =	vadd.f32 $1.000000000e+00, v61  }
0x35: {  	v1 =	vadd.f32 v1, v2  }
0x36: {  	v3 =	vsub.f32 v60, v3;
	v63 =	vadd.f32 $1.000000000e+00, v62;
	v2 =	vmax.f32 v5, $0.0e+00  }
0x37: {  	v1 =	vadd.f32 v2, v1  }
0x38: {  	v3 =	vadd.f32 $1.000000000e+00, v3;
	v2 =	vmax.f32 v63, $0.0e+00  }
0x39: {  	v1 =	vadd.f32 v2, v1  }
0x3a: {  	v2 =	vmax.f32 v3, $0.0e+00  }
0x3b: {  	s11 =	sadd.s32 $0x1, s11;
	v1 =	vadd.f32 v2, v1  }
0x3c: {  	p0 =	sne.s32 s11, s6  }
.Ltmp1:
0x3d: {  	[tilespmem:$0x400] =	vst v1;
	(pc) =	sbr.rel @p0 .LBB2_1-.Ltmp1, $4  }
0x3e: {  	[hbm4b:s5+s2] =	stream.linear.scatter [tilespmem:s9], [sflag:$0x2], $0x10, $0x38;
	[tilespmem:$0x480] =	vst v63  }
0x3f: {  	_ =	swait.ge [sflag:s10], $0x10  }
0x40: {  	[sflag:s10] =	ssyncset.done $0x0  }
0x41: {  	[sflag:s10] =	ssyncadd.s32 $0xFFFFFFF0  }
0x42: {  	_ =	sfence.sel $0x180000  }
0x43: {  	[bflag:$0x0] =	sbarrier.arrive $0xFFFF  }
0x44: {  	p0 =	sne.s32 s1, $0x0;
	_ =	strace $0x90000047  }
0x45: {  	s0 =	sadd.s32 @!p0 $0x100000, s0;
	[bflag:$0x2] =	sbarrier.arrive $0xFFFF  }
0x46: {  	[sflag:s0] =	ssyncadd.tile.s32 @!p0 $0x1;
	_ =	shalt  }
.Lfunc_end2:
_tile_overlayer_lowered:
.L_overlay_start_2:
0x47: {  	(tag) =	ssettag $0x2  }
0x48: {  	s0 =	rddreg [dreg:$0x0];
	s2 =	stileid.u32  }
0x49: {  	s1 =	rddreg [dreg:$0x1];
	p0 =	sne.s32 s2, $0x0  }
0x4a: {  	s3 =	rddreg [dreg:$0x2];
	[bflag:$0x3] =	sbarrier.arrive $0xFFFF;
	s2 =	simm.s32 @!p0 $0x1C02  }
0x4b: {  	[timem:s3], [sflag:s2] =	dma.local @!p0 [hbm:s0], s1  }
0x4c: {  	s0 =	simm.s32 @!p0 $0x2  }
0x4d: {  	_ =	swait.ge @!p0 [sflag:s0], s1  }
0x4e: {  	s1 =	ssub.s32 @!p0 $0x0, s1;
	[sflag:s0] =	ssyncset.done @!p0 $0x0  }
0x4f: {  	[sflag:s0] =	ssyncadd.s32 @!p0 s1  }
0x50: {  	[bflag:$0x3] =	sbarrier.arrive $0xFFFF  }
0x51: {  	_ =	shalt  }

</sc_bundles>
